<compile_context>
chip_gen: v7x
topology: tpu7x:2x2x1
jax: 0.10.2.dev20260603
libtpu: 0.0.44.dev20260713+nightly
codegen_flags: <defaults>
</compile_context>

<pallas_src>
import functools

import jax
import jax.numpy as jnp
from jax import lax
from jax.experimental import pallas as pl
from jax.experimental.pallas import tpu as pltpu
from jax.experimental.pallas import tpu_sc as plsc

N_SPECIES = 512
N_REACTIONS = 65536

_NC = 2
_NS = 16
_LANES = 16
_NW = _NC * _NS
_PER_W = N_REACTIONS // _NW
_TAB = 528

_mesh = plsc.VectorSubcoreMesh(core_axis_name="c", subcore_axis_name="s")


@functools.partial(
    pl.kernel,
    out_type=jax.ShapeDtypeStruct((1, N_REACTIONS), jnp.float32),
    mesh=_mesh,
    compiler_params=pltpu.CompilerParams(needs_layout_passes=False),
    scratch_types=[
        pltpu.VMEM((_TAB,), jnp.float32),
        pltpu.VMEM((4, _LANES), jnp.float32),
        pltpu.VMEM((_PER_W,), jnp.float32),
        pltpu.VMEM((_PER_W,), jnp.float32),
        pltpu.VMEM((_PER_W,), jnp.float32),
        pltpu.VMEM((_PER_W,), jnp.float32),
        pltpu.VMEM((_PER_W,), jnp.float32),
        pltpu.VMEM((_PER_W,), jnp.int32),
        pltpu.VMEM((_PER_W,), jnp.int32),
        pltpu.VMEM((_PER_W,), jnp.float32),
        pltpu.SemaphoreType.DMA,
    ],
)
def _sc_rates(abund_hbm, scal_hbm, alpha_hbm, beta_hbm, gamma_hbm, zeta_hbm,
              fuv_hbm, rm0_hbm, rm1_hbm, rates_hbm,
              tab_v, scal_v, a_v, b_v, g_v, z_v, f_v, i0_v, i1_v, out_v, sem):
    wid = lax.axis_index("s") * _NC + lax.axis_index("c")
    base = wid * _PER_W
    sl = pl.ds(base, _PER_W)
    copies = [
        pltpu.async_copy(abund_hbm, tab_v.at[pl.ds(0, N_SPECIES)], sem),
        pltpu.async_copy(scal_hbm, scal_v, sem),
        pltpu.async_copy(alpha_hbm.at[sl], a_v, sem),
        pltpu.async_copy(beta_hbm.at[sl], b_v, sem),
        pltpu.async_copy(gamma_hbm.at[sl], g_v, sem),
        pltpu.async_copy(zeta_hbm.at[sl], z_v, sem),
        pltpu.async_copy(fuv_hbm.at[sl], f_v, sem),
        pltpu.async_copy(rm0_hbm.at[sl], i0_v, sem),
        pltpu.async_copy(rm1_hbm.at[sl], i1_v, sem),
    ]
    for c in copies:
        c.wait()
    tab_v[pl.ds(N_SPECIES, _TAB - N_SPECIES)] = jnp.ones(
        (_TAB - N_SPECIES,), jnp.float32)

    log_t = scal_v[0]
    inv_t = scal_v[1]
    cr = scal_v[2]
    fuv = scal_v[3]

    @plsc.parallel_loop(0, _PER_W, step=_LANES, unroll=4)
    def body(i):
        s = pl.ds(i, _LANES)
        rate = (a_v[s] * jnp.exp(b_v[s] * log_t - g_v[s] * inv_t)
                + cr * z_v[s] + fuv * f_v[s])
        m0 = plsc.load_gather(tab_v, [i0_v[s]])
        m1 = plsc.load_gather(tab_v, [i1_v[s]])
        out_v[s] = rate * m0 * m1

    pltpu.sync_copy(out_v, rates_hbm.at[0, sl])


_BC = 4096


def _gemv_body(inc_ref, rates_ref, out_ref):
    j = pl.program_id(0)

    @pl.when(j == 0)
    def _init():
        out_ref[...] = jnp.zeros_like(out_ref)

    out_ref[...] += lax.dot_general(
        inc_ref[...], rates_ref[...], (((1,), (1,)), ((), ())),
        preferred_element_type=jnp.float32)


_gemv = pl.pallas_call(
    _gemv_body,
    grid=(N_REACTIONS // _BC,),
    in_specs=[
        pl.BlockSpec((N_SPECIES, _BC), lambda j: (0, j)),
        pl.BlockSpec((1, _BC), lambda j: (0, j)),
    ],
    out_specs=pl.BlockSpec((N_SPECIES, 1), lambda j: (0, 0)),
    out_shape=jax.ShapeDtypeStruct((N_SPECIES, 1), jnp.float32),
)


def kernel(time, abundances, temperature, cr_rate, fuv_rate, incidence,
           reactant_multipliers, alpha, beta, gamma, zeta_coef, fuv_coef):
    del time
    rm = reactant_multipliers.astype(jnp.int32)
    rm0 = rm[:, 0]
    rm1 = rm[:, 1]
    scal = jnp.stack([
        jnp.full((_LANES,), jnp.log(temperature / 300.0), jnp.float32),
        jnp.full((_LANES,), 1.0 / temperature, jnp.float32),
        jnp.full((_LANES,), cr_rate, jnp.float32),
        jnp.full((_LANES,), fuv_rate, jnp.float32),
    ])
    rates = _sc_rates(abundances, scal, alpha, beta, gamma, zeta_coef,
                      fuv_coef, rm0, rm1)
    out = _gemv(incidence, rates)
    return out.reshape(N_SPECIES)

# --- scband reference (transcript-rebuilt; emitter-appended) ---
"""Pipeline reference for scband-jnetwork-6090263626486 (READ-ONLY COPY).

The authoritative reference and input builder live on the scoring server;
editing this copy changes nothing except your own understanding.
"""

import jax, jax.numpy as jnp
import numpy as np

N_SPECIES = 512
N_REACTIONS = 65536


def setup_inputs(seed: int = 0) -> dict:
    key = jax.random.key(seed)
    rng = np.random.default_rng(0)
    cols = np.arange(N_REACTIONS)
    # Each reaction consumes 1-2 reactant species and produces 1 product species.
    r1 = rng.integers(0, N_SPECIES, N_REACTIONS)
    r2 = rng.integers(0, N_SPECIES, N_REACTIONS)
    has2 = rng.random(N_REACTIONS) < 0.7
    p1 = rng.integers(0, N_SPECIES, N_REACTIONS)
    inc = np.zeros((N_SPECIES, N_REACTIONS), np.float32)
    np.add.at(inc, (r1, cols), -1.0)
    np.add.at(inc, (r2[has2], cols[has2]), -1.0)
    np.add.at(inc, (p1, cols), 1.0)
    # reactant_multipliers[r] = (spec_idx_0, spec_idx_1); N_SPECIES is the
    # out-of-range sentinel that maps to fill_value=1.0 (as in .get(mode='drop')).
    rm = np.stack([r1, np.where(has2, r2, N_SPECIES)], axis=1).astype(np.int64)
    k1, k2, k3, k4, k5, k6 = jax.random.split(key, 6)
    return {
        "time": jnp.asarray(0.0, jnp.float32),
        "abundances": jax.random.uniform(k1, (N_SPECIES,), jnp.float32, minval=1e-6, maxval=1.0),
        "temperature": jnp.asarray(150.0, jnp.float32),
        "cr_rate": jnp.asarray(1.0, jnp.float32),
        "fuv_rate": jnp.asarray(1.0, jnp.float32),
        "incidence": jnp.asarray(inc),
        "reactant_multipliers": jnp.asarray(rm),
        "alpha": jax.random.uniform(k2, (N_REACTIONS,), jnp.float32, minval=0.0, maxval=1.0),
        "beta": jax.random.uniform(k3, (N_REACTIONS,), jnp.float32, minval=-1.0, maxval=1.0),
        "gamma": jax.random.uniform(k4, (N_REACTIONS,), jnp.float32, minval=0.0, maxval=100.0),
        "zeta_coef": jax.random.uniform(k5, (N_REACTIONS,), jnp.float32, minval=0.0, maxval=1.0),
        "fuv_coef": jax.random.uniform(k6, (N_REACTIONS,), jnp.float32, minval=0.0, maxval=1.0),
    }


def reference(time, abundances, temperature, cr_rate, fuv_rate, incidence,
              reactant_multipliers, alpha, beta, gamma, zeta_coef, fuv_coef):
    # get_rates: per-reaction rate term (Arrhenius + CR + FUV contributions),
    # vectorized equivalent of hstack over JReactionRateTerm(temperature, cr, fuv).
    rates = (alpha * (temperature / 300.0) ** beta * jnp.exp(-gamma / temperature)
             + cr_rate * zeta_coef + fuv_rate * fuv_coef)
    # multiply_rates_by_abundance: gather with mode='drop', fill_value=1.0.
    # Sentinel index N_SPECIES lands on the appended 1.0 entry -> exact semantics.
    abund_ext = jnp.concatenate([abundances, jnp.ones((1,), abundances.dtype)])
    rates_multiplier = jnp.prod(abund_ext[reactant_multipliers], axis=1)
    rates = rates * rates_multiplier
    # incidence @ rates: scatter-accumulate reaction fluxes onto species (dy/dt).
    return incidence @ rates

if __name__ == "__main__":
    import jax
    _d = setup_inputs()
    print(jax.jit(kernel)(*tuple(_d.values())))

</pallas_src>

<mosaic_0001>
#map = affine_map<(d0, d1) -> (0)>
#map1 = affine_map<(d0, d1) -> (0, 0)>
module attributes {stable_mosaic.version = 14 : i64} {
  func.func @_sc_rates(%arg0: i32, %arg1: i32, %arg2: memref<512xf32, #tpu.memory_space<hbm>>, %arg3: memref<4x16xf32, #tpu.memory_space<hbm>>, %arg4: memref<65536xf32, #tpu.memory_space<hbm>>, %arg5: memref<65536xf32, #tpu.memory_space<hbm>>, %arg6: memref<65536xf32, #tpu.memory_space<hbm>>, %arg7: memref<65536xf32, #tpu.memory_space<hbm>>, %arg8: memref<65536xf32, #tpu.memory_space<hbm>>, %arg9: memref<65536xi32, #tpu.memory_space<hbm>>, %arg10: memref<65536xi32, #tpu.memory_space<hbm>>, %arg11: memref<1x65536xf32, #tpu.memory_space<hbm>>, %arg12: memref<528xf32, #tpu.memory_space<vmem>>, %arg13: memref<4x16xf32, #tpu.memory_space<vmem>>, %arg14: memref<2048xf32, #tpu.memory_space<vmem>>, %arg15: memref<2048xf32, #tpu.memory_space<vmem>>, %arg16: memref<2048xf32, #tpu.memory_space<vmem>>, %arg17: memref<2048xf32, #tpu.memory_space<vmem>>, %arg18: memref<2048xf32, #tpu.memory_space<vmem>>, %arg19: memref<2048xi32, #tpu.memory_space<vmem>>, %arg20: memref<2048xi32, #tpu.memory_space<vmem>>, %arg21: memref<2048xf32, #tpu.memory_space<vmem>>, %arg22: memref<!tpu.dma_semaphore, #tpu.memory_space<semaphore_mem>>) attributes {dimension_semantics = [#tpu.dimension_semantics<core_parallel>, #tpu.dimension_semantics<subcore_parallel>], iteration_bounds = array<i64: 2, 16>, scalar_prefetch = 0 : i64, scratch_operands = 11 : i64, tpu.core_type = #tpu.core_type<sc_vector_subcore>, window_params = [{transform_indices = #map}, {transform_indices = #map1}, {transform_indices = #map}, {transform_indices = #map}, {transform_indices = #map}, {transform_indices = #map}, {transform_indices = #map}, {transform_indices = #map}, {transform_indices = #map}, {transform_indices = #map1}]} {
    %mul3A = arith.constant 2 : i32
    %mul3A_0 = arith.muli %arg1, %mul3A : i32
    %add3A = arith.addi %mul3A_0, %arg0 : i32
    %mul3A_1 = arith.constant 2048 : i32
    %mul3A_2 = arith.muli %add3A, %mul3A_1 : i32
    %dma_start3A = arith.constant 0 : i32
    %dma_start3A_3 = tpu.memref_slice %arg12[%dma_start3A] : memref<528xf32, #tpu.memory_space<vmem>> -> memref<512xf32, #tpu.memory_space<vmem>>
    %dma_start3A_4 = arith.constant 0 : i32
    %dma_start3A_5 = tpu.memref_slice %arg12[%dma_start3A_4] : memref<528xf32, #tpu.memory_space<vmem>> -> memref<512xf32, #tpu.memory_space<vmem>>
    tpu.enqueue_dma source(%arg2 : memref<512xf32, #tpu.memory_space<hbm>>) target(%dma_start3A_5 : memref<512xf32, #tpu.memory_space<vmem>>) target_semaphore(%arg22 : memref<!tpu.dma_semaphore, #tpu.memory_space<semaphore_mem>>)
    tpu.enqueue_dma source(%arg3 : memref<4x16xf32, #tpu.memory_space<hbm>>) target(%arg13 : memref<4x16xf32, #tpu.memory_space<vmem>>) target_semaphore(%arg22 : memref<!tpu.dma_semaphore, #tpu.memory_space<semaphore_mem>>)
    %dma_start3A_6 = tpu.memref_slice %arg4[%mul3A_2] : memref<65536xf32, #tpu.memory_space<hbm>> -> memref<2048xf32, #tpu.memory_space<hbm>>
    %dma_start3A_7 = tpu.memref_slice %arg4[%mul3A_2] : memref<65536xf32, #tpu.memory_space<hbm>> -> memref<2048xf32, #tpu.memory_space<hbm>>
    tpu.enqueue_dma source(%dma_start3A_7 : memref<2048xf32, #tpu.memory_space<hbm>>) target(%arg14 : memref<2048xf32, #tpu.memory_space<vmem>>) target_semaphore(%arg22 : memref<!tpu.dma_semaphore, #tpu.memory_space<semaphore_mem>>)
    %dma_start3A_8 = tpu.memref_slice %arg5[%mul3A_2] : memref<65536xf32, #tpu.memory_space<hbm>> -> memref<2048xf32, #tpu.memory_space<hbm>>
    %dma_start3A_9 = tpu.memref_slice %arg5[%mul3A_2] : memref<65536xf32, #tpu.memory_space<hbm>> -> memref<2048xf32, #tpu.memory_space<hbm>>
    tpu.enqueue_dma source(%dma_start3A_9 : memref<2048xf32, #tpu.memory_space<hbm>>) target(%arg15 : memref<2048xf32, #tpu.memory_space<vmem>>) target_semaphore(%arg22 : memref<!tpu.dma_semaphore, #tpu.memory_space<semaphore_mem>>)
    %dma_start3A_10 = tpu.memref_slice %arg6[%mul3A_2] : memref<65536xf32, #tpu.memory_space<hbm>> -> memref<2048xf32, #tpu.memory_space<hbm>>
    %dma_start3A_11 = tpu.memref_slice %arg6[%mul3A_2] : memref<65536xf32, #tpu.memory_space<hbm>> -> memref<2048xf32, #tpu.memory_space<hbm>>
    tpu.enqueue_dma source(%dma_start3A_11 : memref<2048xf32, #tpu.memory_space<hbm>>) target(%arg16 : memref<2048xf32, #tpu.memory_space<vmem>>) target_semaphore(%arg22 : memref<!tpu.dma_semaphore, #tpu.memory_space<semaphore_mem>>)
    %dma_start3A_12 = tpu.memref_slice %arg7[%mul3A_2] : memref<65536xf32, #tpu.memory_space<hbm>> -> memref<2048xf32, #tpu.memory_space<hbm>>
    %dma_start3A_13 = tpu.memref_slice %arg7[%mul3A_2] : memref<65536xf32, #tpu.memory_space<hbm>> -> memref<2048xf32, #tpu.memory_space<hbm>>
    tpu.enqueue_dma source(%dma_start3A_13 : memref<2048xf32, #tpu.memory_space<hbm>>) target(%arg17 : memref<2048xf32, #tpu.memory_space<vmem>>) target_semaphore(%arg22 : memref<!tpu.dma_semaphore, #tpu.memory_space<semaphore_mem>>)
    %dma_start3A_14 = tpu.memref_slice %arg8[%mul3A_2] : memref<65536xf32, #tpu.memory_space<hbm>> -> memref<2048xf32, #tpu.memory_space<hbm>>
    %dma_start3A_15 = tpu.memref_slice %arg8[%mul3A_2] : memref<65536xf32, #tpu.memory_space<hbm>> -> memref<2048xf32, #tpu.memory_space<hbm>>
    tpu.enqueue_dma source(%dma_start3A_15 : memref<2048xf32, #tpu.memory_space<hbm>>) target(%arg18 : memref<2048xf32, #tpu.memory_space<vmem>>) target_semaphore(%arg22 : memref<!tpu.dma_semaphore, #tpu.memory_space<semaphore_mem>>)
    %dma_start3A_16 = tpu.memref_slice %arg9[%mul3A_2] : memref<65536xi32, #tpu.memory_space<hbm>> -> memref<2048xi32, #tpu.memory_space<hbm>>
    %dma_start3A_17 = tpu.memref_slice %arg9[%mul3A_2] : memref<65536xi32, #tpu.memory_space<hbm>> -> memref<2048xi32, #tpu.memory_space<hbm>>
    tpu.enqueue_dma source(%dma_start3A_17 : memref<2048xi32, #tpu.memory_space<hbm>>) target(%arg19 : memref<2048xi32, #tpu.memory_space<vmem>>) target_semaphore(%arg22 : memref<!tpu.dma_semaphore, #tpu.memory_space<semaphore_mem>>)
    %dma_start3A_18 = tpu.memref_slice %arg10[%mul3A_2] : memref<65536xi32, #tpu.memory_space<hbm>> -> memref<2048xi32, #tpu.memory_space<hbm>>
    %dma_start3A_19 = tpu.memref_slice %arg10[%mul3A_2] : memref<65536xi32, #tpu.memory_space<hbm>> -> memref<2048xi32, #tpu.memory_space<hbm>>
    tpu.enqueue_dma source(%dma_start3A_19 : memref<2048xi32, #tpu.memory_space<hbm>>) target(%arg20 : memref<2048xi32, #tpu.memory_space<vmem>>) target_semaphore(%arg22 : memref<!tpu.dma_semaphore, #tpu.memory_space<semaphore_mem>>)
    %dma_wait3A = arith.constant 0 : i32
    %dma_wait3A_20 = tpu.memref_slice %arg12[%dma_wait3A] : memref<528xf32, #tpu.memory_space<vmem>> -> memref<512xf32, #tpu.memory_space<vmem>>
    %dma_wait3A_21 = arith.constant 0 : i32
    %dma_wait3A_22 = tpu.memref_slice %arg12[%dma_wait3A_21] : memref<528xf32, #tpu.memory_space<vmem>> -> memref<512xf32, #tpu.memory_space<vmem>>
    tpu.wait_dma2 semaphore(%arg22 : memref<!tpu.dma_semaphore, #tpu.memory_space<semaphore_mem>>) src(%arg2 : memref<512xf32, #tpu.memory_space<hbm>>) dst(%dma_wait3A_22 : memref<512xf32, #tpu.memory_space<vmem>>)
    tpu.wait_dma2 semaphore(%arg22 : memref<!tpu.dma_semaphore, #tpu.memory_space<semaphore_mem>>) src(%arg3 : memref<4x16xf32, #tpu.memory_space<hbm>>) dst(%arg13 : memref<4x16xf32, #tpu.memory_space<vmem>>)
    %dma_wait3A_23 = tpu.memref_slice %arg4[%mul3A_2] : memref<65536xf32, #tpu.memory_space<hbm>> -> memref<2048xf32, #tpu.memory_space<hbm>>
    %dma_wait3A_24 = tpu.memref_slice %arg4[%mul3A_2] : memref<65536xf32, #tpu.memory_space<hbm>> -> memref<2048xf32, #tpu.memory_space<hbm>>
    tpu.wait_dma2 semaphore(%arg22 : memref<!tpu.dma_semaphore, #tpu.memory_space<semaphore_mem>>) src(%dma_wait3A_24 : memref<2048xf32, #tpu.memory_space<hbm>>) dst(%arg14 : memref<2048xf32, #tpu.memory_space<vmem>>)
    %dma_wait3A_25 = tpu.memref_slice %arg5[%mul3A_2] : memref<65536xf32, #tpu.memory_space<hbm>> -> memref<2048xf32, #tpu.memory_space<hbm>>
    %dma_wait3A_26 = tpu.memref_slice %arg5[%mul3A_2] : memref<65536xf32, #tpu.memory_space<hbm>> -> memref<2048xf32, #tpu.memory_space<hbm>>
    tpu.wait_dma2 semaphore(%arg22 : memref<!tpu.dma_semaphore, #tpu.memory_space<semaphore_mem>>) src(%dma_wait3A_26 : memref<2048xf32, #tpu.memory_space<hbm>>) dst(%arg15 : memref<2048xf32, #tpu.memory_space<vmem>>)
    %dma_wait3A_27 = tpu.memref_slice %arg6[%mul3A_2] : memref<65536xf32, #tpu.memory_space<hbm>> -> memref<2048xf32, #tpu.memory_space<hbm>>
    %dma_wait3A_28 = tpu.memref_slice %arg6[%mul3A_2] : memref<65536xf32, #tpu.memory_space<hbm>> -> memref<2048xf32, #tpu.memory_space<hbm>>
    tpu.wait_dma2 semaphore(%arg22 : memref<!tpu.dma_semaphore, #tpu.memory_space<semaphore_mem>>) src(%dma_wait3A_28 : memref<2048xf32, #tpu.memory_space<hbm>>) dst(%arg16 : memref<2048xf32, #tpu.memory_space<vmem>>)
    %dma_wait3A_29 = tpu.memref_slice %arg7[%mul3A_2] : memref<65536xf32, #tpu.memory_space<hbm>> -> memref<2048xf32, #tpu.memory_space<hbm>>
    %dma_wait3A_30 = tpu.memref_slice %arg7[%mul3A_2] : memref<65536xf32, #tpu.memory_space<hbm>> -> memref<2048xf32, #tpu.memory_space<hbm>>
    tpu.wait_dma2 semaphore(%arg22 : memref<!tpu.dma_semaphore, #tpu.memory_space<semaphore_mem>>) src(%dma_wait3A_30 : memref<2048xf32, #tpu.memory_space<hbm>>) dst(%arg17 : memref<2048xf32, #tpu.memory_space<vmem>>)
    %dma_wait3A_31 = tpu.memref_slice %arg8[%mul3A_2] : memref<65536xf32, #tpu.memory_space<hbm>> -> memref<2048xf32, #tpu.memory_space<hbm>>
    %dma_wait3A_32 = tpu.memref_slice %arg8[%mul3A_2] : memref<65536xf32, #tpu.memory_space<hbm>> -> memref<2048xf32, #tpu.memory_space<hbm>>
    tpu.wait_dma2 semaphore(%arg22 : memref<!tpu.dma_semaphore, #tpu.memory_space<semaphore_mem>>) src(%dma_wait3A_32 : memref<2048xf32, #tpu.memory_space<hbm>>) dst(%arg18 : memref<2048xf32, #tpu.memory_space<vmem>>)
    %dma_wait3A_33 = tpu.memref_slice %arg9[%mul3A_2] : memref<65536xi32, #tpu.memory_space<hbm>> -> memref<2048xi32, #tpu.memory_space<hbm>>
    %dma_wait3A_34 = tpu.memref_slice %arg9[%mul3A_2] : memref<65536xi32, #tpu.memory_space<hbm>> -> memref<2048xi32, #tpu.memory_space<hbm>>
    tpu.wait_dma2 semaphore(%arg22 : memref<!tpu.dma_semaphore, #tpu.memory_space<semaphore_mem>>) src(%dma_wait3A_34 : memref<2048xi32, #tpu.memory_space<hbm>>) dst(%arg19 : memref<2048xi32, #tpu.memory_space<vmem>>)
    %dma_wait3A_35 = tpu.memref_slice %arg10[%mul3A_2] : memref<65536xi32, #tpu.memory_space<hbm>> -> memref<2048xi32, #tpu.memory_space<hbm>>
    %dma_wait3A_36 = tpu.memref_slice %arg10[%mul3A_2] : memref<65536xi32, #tpu.memory_space<hbm>> -> memref<2048xi32, #tpu.memory_space<hbm>>
    tpu.wait_dma2 semaphore(%arg22 : memref<!tpu.dma_semaphore, #tpu.memory_space<semaphore_mem>>) src(%dma_wait3A_36 : memref<2048xi32, #tpu.memory_space<hbm>>) dst(%arg20 : memref<2048xi32, #tpu.memory_space<vmem>>)
    %broadcast_in_dim3A = arith.constant 1.000000e+00 : f32
    %broadcast_in_dim3A_37 = vector.broadcast %broadcast_in_dim3A : f32 to vector<16xf32>
    %swap3A = arith.constant 512 : index
    %swap3A_38 = tpu.vector_load %arg12[%swap3A] {strides = array<i32>} : memref<528xf32, #tpu.memory_space<vmem>>, vector<16xf32>,
    tpu.vector_store %arg12[%swap3A], %broadcast_in_dim3A_37 {strides = array<i32>} : memref<528xf32, #tpu.memory_space<vmem>>, vector<16xf32>,
    %get3A = arith.constant 0 : i32
    %get3A_39 = arith.index_cast %get3A : i32 to index
    %get3A_40 = arith.constant 0 : index
    %get3A_41 = tpu.vector_load %arg13[%get3A_39, %get3A_40] {strides = array<i32>} : memref<4x16xf32, #tpu.memory_space<vmem>>, vector<16xf32>,
    %get3A_42 = arith.constant 1 : i32
    %get3A_43 = arith.index_cast %get3A_42 : i32 to index
    %get3A_44 = arith.constant 0 : index
    %get3A_45 = tpu.vector_load %arg13[%get3A_43, %get3A_44] {strides = array<i32>} : memref<4x16xf32, #tpu.memory_space<vmem>>, vector<16xf32>,
    %get3A_46 = arith.constant 2 : i32
    %get3A_47 = arith.index_cast %get3A_46 : i32 to index
    %get3A_48 = arith.constant 0 : index
    %get3A_49 = tpu.vector_load %arg13[%get3A_47, %get3A_48] {strides = array<i32>} : memref<4x16xf32, #tpu.memory_space<vmem>>, vector<16xf32>,
    %get3A_50 = arith.constant 3 : i32
    %get3A_51 = arith.index_cast %get3A_50 : i32 to index
    %get3A_52 = arith.constant 0 : index
    %get3A_53 = tpu.vector_load %arg13[%get3A_51, %get3A_52] {strides = array<i32>} : memref<4x16xf32, #tpu.memory_space<vmem>>, vector<16xf32>,
    %parallel_loop3A = arith.constant 0 : i32
    %parallel_loop3A_54 = arith.constant 2048 : i32
    %parallel_loop3A_55 = arith.constant 16 : i32
    scf.for %parallel_loop3A_56 = %parallel_loop3A to %parallel_loop3A_54 step %parallel_loop3A_55  : i32 {
      %parallel_loop3A_57 = arith.index_cast %parallel_loop3A_56 : i32 to index
      %parallel_loop3A_58 = tpu.vector_load %arg14[%parallel_loop3A_57] {strides = array<i32>} : memref<2048xf32, #tpu.memory_space<vmem>>, vector<16xf32>,
      %parallel_loop3A_59 = arith.index_cast %parallel_loop3A_56 : i32 to index
      %parallel_loop3A_60 = tpu.vector_load %arg15[%parallel_loop3A_59] {strides = array<i32>} : memref<2048xf32, #tpu.memory_space<vmem>>, vector<16xf32>,
      %parallel_loop3A_61 = arith.mulf %parallel_loop3A_60, %get3A_41 : vector<16xf32>
      %parallel_loop3A_62 = arith.index_cast %parallel_loop3A_56 : i32 to index
      %parallel_loop3A_63 = tpu.vector_load %arg16[%parallel_loop3A_62] {strides = array<i32>} : memref<2048xf32, #tpu.memory_space<vmem>>, vector<16xf32>,
      %parallel_loop3A_64 = arith.mulf %parallel_loop3A_63, %get3A_45 : vector<16xf32>
      %parallel_loop3A_65 = arith.subf %parallel_loop3A_61, %parallel_loop3A_64 : vector<16xf32>
      %parallel_loop3A_66 = math.exp %parallel_loop3A_65 : vector<16xf32>
      %parallel_loop3A_67 = arith.mulf %parallel_loop3A_58, %parallel_loop3A_66 : vector<16xf32>
      %parallel_loop3A_68 = arith.index_cast %parallel_loop3A_56 : i32 to index
      %parallel_loop3A_69 = tpu.vector_load %arg17[%parallel_loop3A_68] {strides = array<i32>} : memref<2048xf32, #tpu.memory_space<vmem>>, vector<16xf32>,
      %parallel_loop3A_70 = arith.mulf %get3A_49, %parallel_loop3A_69 : vector<16xf32>
      %parallel_loop3A_71 = arith.addf %parallel_loop3A_67, %parallel_loop3A_70 : vector<16xf32>
      %parallel_loop3A_72 = arith.index_cast %parallel_loop3A_56 : i32 to index
      %parallel_loop3A_73 = tpu.vector_load %arg18[%parallel_loop3A_72] {strides = array<i32>} : memref<2048xf32, #tpu.memory_space<vmem>>, vector<16xf32>,
      %parallel_loop3A_74 = arith.mulf %get3A_53, %parallel_loop3A_73 : vector<16xf32>
      %parallel_loop3A_75 = arith.addf %parallel_loop3A_71, %parallel_loop3A_74 : vector<16xf32>
      %parallel_loop3A_76 = arith.index_cast %parallel_loop3A_56 : i32 to index
      %parallel_loop3A_77 = tpu.vector_load %arg19[%parallel_loop3A_76] {strides = array<i32>} : memref<2048xi32, #tpu.memory_space<vmem>>, vector<16xi32>,
      %parallel_loop3A_78 = tpu.vector_load_idx %arg12[%parallel_loop3A_77] : memref<528xf32, #tpu.memory_space<vmem>>[vector<16xi32>], vector<16xf32>,
      %parallel_loop3A_79 = arith.index_cast %parallel_loop3A_56 : i32 to index
      %parallel_loop3A_80 = tpu.vector_load %arg20[%parallel_loop3A_79] {strides = array<i32>} : memref<2048xi32, #tpu.memory_space<vmem>>, vector<16xi32>,
      %parallel_loop3A_81 = tpu.vector_load_idx %arg12[%parallel_loop3A_80] : memref<528xf32, #tpu.memory_space<vmem>>[vector<16xi32>], vector<16xf32>,
      %parallel_loop3A_82 = arith.mulf %parallel_loop3A_75, %parallel_loop3A_78 : vector<16xf32>
      %parallel_loop3A_83 = arith.mulf %parallel_loop3A_82, %parallel_loop3A_81 : vector<16xf32>
      %parallel_loop3A_84 = arith.index_cast %parallel_loop3A_56 : i32 to index
      %parallel_loop3A_85 = tpu.vector_load %arg21[%parallel_loop3A_84] {strides = array<i32>} : memref<2048xf32, #tpu.memory_space<vmem>>, vector<16xf32>,
      tpu.vector_store %arg21[%parallel_loop3A_84], %parallel_loop3A_83 {strides = array<i32>} : memref<2048xf32, #tpu.memory_space<vmem>>, vector<16xf32>,
    } {sc.loop_unroll_factor = 4 : i64, sc.parallel_access}
    %run_scoped3A = arith.constant 0 : i32
    "tpu.region"() ({
      %run_scoped3A_56 = tpu.sem_alloc : memref<!tpu.dma_semaphore, #tpu.memory_space<semaphore_mem>>
      %dma_start3A_57 = tpu.memref_slice %arg11[%run_scoped3A, %mul3A_2] : memref<1x65536xf32, #tpu.memory_space<hbm>> -> memref<1x2048xf32, #tpu.memory_space<hbm>>
      %dma_start3A_58 = tpu.memref_squeeze %dma_start3A_57 : memref<1x2048xf32, #tpu.memory_space<hbm>> -> memref<2048xf32, #tpu.memory_space<hbm>>
      %dma_start3A_59 = tpu.memref_slice %arg11[%run_scoped3A, %mul3A_2] : memref<1x65536xf32, #tpu.memory_space<hbm>> -> memref<1x2048xf32, #tpu.memory_space<hbm>>
      %dma_start3A_60 = tpu.memref_squeeze %dma_start3A_59 : memref<1x2048xf32, #tpu.memory_space<hbm>> -> memref<2048xf32, #tpu.memory_space<hbm>>
      tpu.enqueue_dma source(%arg21 : memref<2048xf32, #tpu.memory_space<vmem>>) target(%dma_start3A_60 : memref<2048xf32, #tpu.memory_space<hbm>>) target_semaphore(%run_scoped3A_56 : memref<!tpu.dma_semaphore, #tpu.memory_space<semaphore_mem>>)
      %dma_wait3A_61 = tpu.memref_slice %arg11[%run_scoped3A, %mul3A_2] : memref<1x65536xf32, #tpu.memory_space<hbm>> -> memref<1x2048xf32, #tpu.memory_space<hbm>>
      %dma_wait3A_62 = tpu.memref_squeeze %dma_wait3A_61 : memref<1x2048xf32, #tpu.memory_space<hbm>> -> memref<2048xf32, #tpu.memory_space<hbm>>
      %dma_wait3A_63 = tpu.memref_slice %arg11[%run_scoped3A, %mul3A_2] : memref<1x65536xf32, #tpu.memory_space<hbm>> -> memref<1x2048xf32, #tpu.memory_space<hbm>>
      %dma_wait3A_64 = tpu.memref_squeeze %dma_wait3A_63 : memref<1x2048xf32, #tpu.memory_space<hbm>> -> memref<2048xf32, #tpu.memory_space<hbm>>
      tpu.wait_dma2 semaphore(%run_scoped3A_56 : memref<!tpu.dma_semaphore, #tpu.memory_space<semaphore_mem>>) src(%arg21 : memref<2048xf32, #tpu.memory_space<vmem>>) dst(%dma_wait3A_64 : memref<2048xf32, #tpu.memory_space<hbm>>)
      tpu.yield
    }) : () -> ()
    return
  }
}

module attributes {stable_mosaic.version = 14 : i64} {
  func.func @_gemv_body(%arg0: i32, %arg1: memref<512x4096xf32, #tpu.memory_space<vmem>>, %arg2: memref<1x4096xf32, #tpu.memory_space<vmem>>, %arg3: memref<512x1xf32, #tpu.memory_space<vmem>>) attributes {dimension_semantics = [#tpu.dimension_semantics<arbitrary>], iteration_bounds = array<i64: 16>, scalar_prefetch = 0 : i64, scratch_operands = 0 : i64, tpu.core_type = #tpu.core_type<tc>, window_params = [{transform_indices = @transform_0, window_bounds = array<i64: 512, 4096>}, {transform_indices = @transform_1, window_bounds = array<i64: 1, 4096>}, {pipeline_mode = #tpu.pipeline_mode<synchronous>, transform_indices = @transform_2, window_bounds = array<i64: 512, 1>}]} {
    %eq3A = arith.constant 0 : i32
    %eq3A_0 = arith.cmpi eq, %arg0, %eq3A : i32
    %convert_element_type3A = arith.extui %eq3A_0 : i1 to i32
    %cond3A = arith.constant 0 : i32
    %cond3A_1 = arith.cmpi ne, %convert_element_type3A, %cond3A : i32
    scf.if %cond3A_1 {
      %broadcast_in_dim3A = arith.constant 0.000000e+00 : f32
      %broadcast_in_dim3A_13 = vector.broadcast %broadcast_in_dim3A : f32 to vector<512x1xf32>
      %swap3A_14 = arith.constant 0 : index
      %swap3A_15 = arith.constant 0 : index
      %swap3A_16 = vector.load %arg3[%swap3A_14, %swap3A_15] : memref<512x1xf32, #tpu.memory_space<vmem>>, vector<512x1xf32>
      tpu.vector_store %arg3[%swap3A_14, %swap3A_15], %broadcast_in_dim3A_13 {strides = array<i32>} : memref<512x1xf32, #tpu.memory_space<vmem>>, vector<512x1xf32>,
    } else {
    }
    %get3A = arith.constant 0 : index
    %get3A_2 = arith.constant 0 : index
    %get3A_3 = vector.load %arg3[%get3A, %get3A_2] : memref<512x1xf32, #tpu.memory_space<vmem>>, vector<512x1xf32>
    %get3A_4 = arith.constant 0 : index
    %get3A_5 = arith.constant 0 : index
    %get3A_6 = vector.load %arg1[%get3A_4, %get3A_5] : memref<512x4096xf32, #tpu.memory_space<vmem>>, vector<512x4096xf32>
    %get3A_7 = arith.constant 0 : index
    %get3A_8 = arith.constant 0 : index
    %get3A_9 = vector.load %arg2[%get3A_7, %get3A_8] : memref<1x4096xf32, #tpu.memory_space<vmem>>, vector<1x4096xf32>
    %dot_general3A = arith.constant dense<0.000000e+00> : vector<512x1xf32>
    %dot_general3A_10 = tpu.matmul %get3A_6, %get3A_9, %dot_general3A {dimension_numbers = #tpu.dot_dimension_numbers<[1], [1], [0], [0], [0, 0, 1, 0], [], []>, transpose_lhs_hint = false} : vector<512x4096xf32>, vector<1x4096xf32>, vector<512x1xf32> -> vector<512x1xf32>
    %add3A = arith.addf %get3A_3, %dot_general3A_10 : vector<512x1xf32>
    %swap3A = arith.constant 0 : index
    %swap3A_11 = arith.constant 0 : index
    %swap3A_12 = vector.load %arg3[%swap3A, %swap3A_11] : memref<512x1xf32, #tpu.memory_space<vmem>>, vector<512x1xf32>
    tpu.vector_store %arg3[%swap3A, %swap3A_11], %add3A {strides = array<i32>} : memref<512x1xf32, #tpu.memory_space<vmem>>, vector<512x1xf32>,
    return
  }
  func.func @transform_0(%arg0: i32) -> (i32, i32) {
    %c0_i32 = arith.constant 0 : i32
    %c0_i32_0 = arith.constant 0 : i32
    return %c0_i32, %arg0 : i32, i32
  }
  func.func @transform_1(%arg0: i32) -> (i32, i32) {
    %c0_i32 = arith.constant 0 : i32
    %c0_i32_0 = arith.constant 0 : i32
    return %c0_i32, %arg0 : i32, i32
  }
  func.func @transform_2(%arg0: i32) -> (i32, i32) {
    %c0_i32 = arith.constant 0 : i32
    %c0_i32_0 = arith.constant 0 : i32
    %c0_i32_1 = arith.constant 0 : i32
    return %c0_i32, %c0_i32_0 : i32, i32
  }
}

</mosaic_0001>

<sc_bundles>
// kernel: kernel.4.cloned.1.call-start
scs
__scs_entry_jumppad:
0x0: {  	(pc) =	sbr.rel $0x88, $3  }
0x1: {  	(tag) =	ssettag $0x0;
	lr =	simm.s32 $0x1  }
0x2: {  	[smem:$0x3F96] =	sst lr;
	_ =	strace $0xD0000000  }
0x3: {  	_ = 	snop  }
0x4: {  	_ = 	snop  }
0x5: {  	_ = 	snop  }
0x6: {  	_ = 	snop  }
0x7: {  	_ = 	snop  }
__scs_overlays_trampoline_lowered:
0x8: {  	[smem:$0x3FA5] =	sst s0  }
0x9: {  	[smem:$0x3FA6] =	sst s1  }
0xa: {  	[smem:$0x3FA7] =	sst s2  }
0xb: {  	[smem:$0x3FA8] =	sst s3  }
0xc: {  	[smem:$0x3FA9] =	sst s4  }
0xd: {  	[smem:$0x3FAA] =	sst s5  }
0xe: {  	[smem:$0x3FAB] =	sst s6  }
0xf: {  	[smem:$0x3FAC] =	sst s7  }
0x10: {  	[smem:$0x3FAD] =	sst s8  }
0x11: {  	[smem:$0x3FAE] =	sst s9;
	s0 =	simm.s32 @!p0 $0x0  }
0x12: {  	s1 =	sld [smem:$0x3F94];
	s0 =	simm.s32 @p0 $0x1  }
0x13: {  	[smem:$0x3FAF] =	sst s0;
	s0 =	simm.s32 @!p1 $0x0  }
0x14: {  	s2 =	sld [smem:$0x3F93];
	s0 =	simm.s32 @p1 $0x1  }
0x15: {  	[smem:$0x3FB0] =	sst s0;
	s0 =	simm.s32 @!p2 $0x0  }
0x16: {  	s3 =	sld [smem:$0x3FDB];
	s0 =	simm.s32 @p2 $0x1  }
0x17: {  	s4 =	simm.s32 $0x1BF5;
	[smem:$0x3FB2] =	sst s0  }
0x18: {  	s0 =	sld [smem:$0x3F95];
	_ =	swait.ge [sflag:s4], $0x0  }
0x19: {  	s7 =	sld [smem:$0x3F96]  }
0x1a: {  	s8 =	sadd.s32 $0xFFFFE003, lr  }
0x1b: {  	s9 =	sadd.s32 $0xFFFFFEF7, lr;
	s5 =	simm.s32 $0xFFFFFFFF;
	p2 =	slt.u32 s8, $0xFFFFF086  }
0x1c: {  	p1 =	slt.u32 s9, $0xF7A;
	s5 =	simm.s32 @!p2 $0x0  }
0x1d: {  	s5 =	simm.s32 @p1 $0x1;
	p0 =	seq.s32 s7, s2  }
0x1e: {  	s7 =	smul.u32 @!p0 $0xF7A, s2;
	p2 =	seq.s32 @!p0 s5, $0x0  }
0x1f: {  	s9 =	smul.u32 $0xF7A, s1;
	s8 =	simm.s32 @!p0 $0x1BF5;
	p2 =	por !p2, p0  }
0x20: {  	[sflag:s8] =	ssyncset.s32 @!p0 $0xFFFFF086;
	s6 =	sadd.s32 @!p0 s3, s7;
	s7 =	simm.s32 @!p0 $0x108  }
0x21: {  	s3 =	sadd.s32 s3, s9;
	s6 =	sadd.s32 @!p0 $0x88, s6;
	s7 =	simm.s32 @p2 $0x1082  }
0x22: {  	[simem:s7], [sflag:s8] =	dma.local @!p0 [hbm:s6], $0xF7A  }
0x23: {  	s9 =	sor.u32 $0xD0000000, s2;
	s6 =	simm.s32 $0x108;
	_ =	swait.ge @!p0 [sflag:s8], $0x0  }
0x24: {  	s3 =	sadd.s32 $0x88, s3;
	s6 =	simm.s32 @!p1 $0x1082;
	[sflag:s4] =	ssyncset.s32 $0xFFFFF086  }
0x25: {  	[simem:s6], [sflag:s4] =	dma.local [hbm:s3], $0xF7A  }
0x26: {  	[smem:$0x3F96] =	sst s1;
	(tag) =	ssettag s2;
	_ =	strace s9  }
0x27: {  	s1 =	sld [smem:$0x3FA6]  }
0x28: {  	s2 =	sld [smem:$0x3FA7]  }
0x29: {  	s4 =	sld [smem:$0x3FA9]  }
0x2a: {  	p0 =	seq.s32 s5, $0x0;
	s5 =	sld [smem:$0x3FAA]  }
0x2b: {  	s6 =	sld [smem:$0x3FAB]  }
0x2c: {  	s7 =	sld [smem:$0x3FAC]  }
0x2d: {  	s3 =	simm.s32 $0x108;
	s8 =	sld [smem:$0x3FAD]  }
0x2e: {  	s3 =	simm.s32 @!p0 $0x1082;
	s9 =	sld [smem:$0x3FAE]  }
0x2f: {  	lr =	sadd.s32 s0, s3;
	s0 =	sld [smem:$0x3FA5]  }
0x30: {  	s3 =	sld [smem:$0x3FA8]  }
0x31: {  	[smem:$0x3FB1] =	sst s10  }
0x32: {  	s10 =	sld [smem:$0x3FAF];
	_ =	sdelay $0x3  }
0x33: {  	p0 =	seq.s32 s10, $0x1;
	s10 =	sld [smem:$0x3FB1];
	_ =	sdelay $0x3  }
0x34: {  	[smem:$0x3FB1] =	sst s10  }
0x35: {  	s10 =	sld [smem:$0x3FB0];
	_ =	sdelay $0x3  }
0x36: {  	p1 =	seq.s32 s10, $0x1;
	s10 =	sld [smem:$0x3FB1];
	_ =	sdelay $0x3  }
0x37: {  	[smem:$0x3FB1] =	sst s10  }
0x38: {  	s10 =	sld [smem:$0x3FB2]  }
0x39: {  	_ = 	snop;
	(pc) =	sbr.ind lr, $3  }
0x3a: {  	_ = 	snop  }
0x3b: {  	_ = 	snop  }
0x3c: {  	p2 =	seq.s32 s10, $0x1;
	s10 =	sld [smem:$0x3FB1]  }
0x3d: {  	_ =	shalt  }
0x3e: {  	_ =	shalt  }
0x3f: {  	_ =	shalt  }
0x40: {  	_ =	shalt  }
0x41: {  	_ =	shalt  }
0x42: {  	_ =	shalt  }
0x43: {  	_ =	shalt  }
0x44: {  	_ =	shalt  }
0x45: {  	_ =	shalt  }
0x46: {  	_ =	shalt  }
0x47: {  	_ =	shalt  }
0x48: {  	_ =	shalt  }
0x49: {  	_ =	shalt  }
0x4a: {  	_ =	shalt  }
0x4b: {  	_ =	shalt  }
0x4c: {  	_ =	shalt  }
0x4d: {  	_ =	shalt  }
0x4e: {  	_ =	shalt  }
0x4f: {  	_ =	shalt  }
0x50: {  	_ =	shalt  }
0x51: {  	_ =	shalt  }
0x52: {  	_ =	shalt  }
0x53: {  	_ =	shalt  }
0x54: {  	_ =	shalt  }
0x55: {  	_ =	shalt  }
0x56: {  	_ =	shalt  }
0x57: {  	_ =	shalt  }
0x58: {  	_ =	shalt  }
0x59: {  	_ =	shalt  }
0x5a: {  	_ =	shalt  }
0x5b: {  	_ =	shalt  }
0x5c: {  	_ =	shalt  }
0x5d: {  	_ =	shalt  }
0x5e: {  	_ =	shalt  }
0x5f: {  	_ =	shalt  }
0x60: {  	_ =	shalt  }
0x61: {  	_ =	shalt  }
0x62: {  	_ =	shalt  }
0x63: {  	_ =	shalt  }
0x64: {  	_ =	shalt  }
0x65: {  	_ =	shalt  }
0x66: {  	_ =	shalt  }
0x67: {  	_ =	shalt  }
0x68: {  	_ =	shalt  }
0x69: {  	_ =	shalt  }
0x6a: {  	_ =	shalt  }
0x6b: {  	_ =	shalt  }
0x6c: {  	_ =	shalt  }
0x6d: {  	_ =	shalt  }
0x6e: {  	_ =	shalt  }
0x6f: {  	_ =	shalt  }
0x70: {  	_ =	shalt  }
0x71: {  	_ =	shalt  }
0x72: {  	_ =	shalt  }
0x73: {  	_ =	shalt  }
0x74: {  	_ =	shalt  }
0x75: {  	_ =	shalt  }
0x76: {  	_ =	shalt  }
0x77: {  	_ =	shalt  }
0x78: {  	_ =	shalt  }
0x79: {  	_ =	shalt  }
0x7a: {  	_ =	shalt  }
0x7b: {  	_ =	shalt  }
0x7c: {  	_ =	shalt  }
0x7d: {  	_ =	shalt  }
0x7e: {  	_ =	shalt  }
0x7f: {  	_ =	shalt  }
0x80: {  	_ =	shalt  }
0x81: {  	_ =	shalt  }
0x82: {  	_ =	shalt  }
0x83: {  	_ =	shalt  }
0x84: {  	_ =	shalt  }
0x85: {  	_ =	shalt  }
0x86: {  	_ =	shalt  }
0x87: {  	_ =	shalt  }
.Lfunc_end0:
.L_simem_size_0:
called_computation_lowered:
.L_overlay_start_0:
0x88: {  	s2 =	sld [smem:$0x3FD9]  }
0x89: {  	s3 =	sld [smem:$0x3FFE];
	_ =	sdelay $0x1  }
0x8a: {  	s1 =	srdreg.scid  }
0x8b: {  	s0 =	sand.u32 $0x1, s1  }
0x8c: {  	s17 =	sshll.u32 s0, $0xA;
	s2 =	sadd.s32 s3, s2  }
0x8d: {  	s2 =	sadd.s32 s2, s17  }
0x8e: {  	[smem:$0x3FBD] =	sst s2  }
0x8f: {  	_ = 	snop  }
0x90: {  	s2 =	sld [smem:$0x3FC9]  }
0x91: {  	s18 =	sld [smem:$0x3FC3]  }
0x92: {  	s4 =	sld [smem:$0x3FC2]  }
0x93: {  	s5 =	sld [smem:$0x3FC1]  }
0x94: {  	s6 =	sld [smem:$0x3FC0]  }
0x95: {  	s7 =	sld [smem:$0x3FBF]  }
0x96: {  	s8 =	sld [smem:$0x3FD0];
	(tm) =	ssettm $0x1  }
0x97: {  	s9 =	sld [smem:$0x3FFB];
	_ =	sdelay $0x3  }
0x98: {  	_ =	strace s9  }
0x99: {  	s9 =	sld [smem:$0x3FFC];
	_ =	sdelay $0x3  }
0x9a: {  	_ =	strace s9  }
0x9b: {  	s9 =	sld [smem:$0x3FFD];
	_ =	sdelay $0x3  }
0x9c: {  	_ =	strace s9  }
0x9d: {  	_ =	strace $0x8FFFFFFF  }
0x9e: {  	s19 =	sld [smem:$0x3FDB];
	_ =	sdelay $0x1  }
0x9f: {  	s10 =	simm.s32 $_scs_section_size  }
0xa0: {  	s11 =	simm.s32 $_size__tile_overlayer_lowered;
	s12 =	simm.s32 $_tile_overlayer_lowered  }
0xa1: {  	s22 =	simm.s32 $0x1BFF;
	s21 =	sshll.u32 s12, $0x1;
	s9 =	sadd.s32 s10, s19  }
0xa2: {  	s13 =	simm.s32 $0x0;
	s20 =	sshll.u32 s11, $0x1;
	s11 =	sadd.s32 s21, s9  }
0xa3: {  	[timem:s13], [sflag:s22] =	dma.local [hbm:s11], s20  }
0xa4: {  	_ =	swait.ge [sflag:s22], s20  }
0xa5: {  	s10 =	ssub.s32 $0x0, s20;
	[sflag:s22] =	ssyncset.done $0x0  }
0xa6: {  	[sflag:s22] =	ssyncadd.s32 s10;
	_ =	sdelay $0x1  }
0xa7: {  	s23 =	simm.s32 $0x1B8B  }
0xa8: {  	_ =	swait.ge [sflag:s23], $0x1  }
0xa9: {  	[sflag:s23] =	ssyncset.done $0x0  }
0xaa: {  	s25 =	simm.s32 $0x1B8E;
	s24 =	sld [smem:$0x3FFE];
	[sflag:s23] =	ssyncadd.s32 $0xFFFFFFFF  }
0xab: {  	s26 =	simm.s32 $execute0_lowered;
	[smem:$0x3FD2] =	sst s25  }
0xac: {  	s11 =	sshll.u32 s26, $0x1;
	_ =	strace $0x80000046;
	[dreg:$0x1] =	wrdreg $0xFFFFFFFF  }
0xad: {  	s28 =	simm.s32 $_size_execute0_lowered;
	s9 =	sadd.s32 s9, s11;
	[dreg:$0x0] =	wrdreg $0x0  }
0xae: {  	s11 =	sshll.u32 s28, $0x1;
	[dreg:$0x2] =	wrdreg s9  }
0xaf: {  	[dreg:$0x3] =	wrdreg s11  }
0xb0: {  	[dreg:$0x4] =	wrdreg $0xC0  }
0xb1: {  	_ =	task [dreg:s13], $0x5FFFF  }
0xb2: {  	[dreg:$0x1] =	wrdreg $0xFFFFFFFF  }
0xb3: {  	[dreg:$0x0] =	wrdreg $0x60  }
0xb4: {  	[dreg:$0x2] =	wrdreg s2  }
0xb5: {  	[dreg:$0x3] =	wrdreg s8  }
0xb6: {  	[dreg:$0x4] =	wrdreg s18  }
0xb7: {  	[dreg:$0x5] =	wrdreg s4  }
0xb8: {  	[dreg:$0x6] =	wrdreg s5  }
0xb9: {  	[dreg:$0x7] =	wrdreg s6  }
0xba: {  	[dreg:$0x8] =	wrdreg s7  }
0xbb: {  	[dreg:$0x9] =	wrdreg s24  }
0xbc: {  	[dreg:$0xa] =	wrdreg $0x9  }
0xbd: {  	_ =	task.clear_ibuf [dreg:s13], $0xBFFFF;
	_ =	strace $0x90000046  }
0xbe: {  	s29 =	simm.s32 $0x9;
	_ =	strace $0x80000048  }
0xbf: {  	_ =	swait.ge [sflag:s29], $0x1  }
0xc0: {  	[sflag:s29] =	ssyncadd.s32 $0xFFFFFFFF  }
0xc1: {  	_ =	strace $0x90000048  }
0xc2: {  	_ =	sfence  }
0xc3: {  	s30 =	sld [smem:$0x0];
	_ =	sdelay $0x2  }
0xc4: {  	s31 =	sshll.u32 s1, $0xD;
	s1 =	sshrl.u32 s1, $0x2  }
0xc5: {  	s3 =	sand.u32 $0x4000, s31;
	s1 =	sadd.s32 s1, s30  }
0xc6: {  	s0 =	sor.u32 s3, s0;
	s1 =	sshll.u32 s1, $0x11  }
0xc7: {  	s0 =	sor.u32 s1, s0  }
0xc8: {  	s0 =	sadd.s32 $0x8F2B, s0  }
0xc9: {  	[sflag:s0] =	ssyncadd.remote.s32 $0x1  }
0xca: {  	_ =	sfence.sel $0xFFFF  }
0xcb: {  	[dreg:$0x0] =	wrdreg $0xFFFFFFFF;
	(pc) =	sbr.abs _section_cstart, $3  }
0xcc: {  	[dreg:$0x1] =	wrdreg $0xFFFFFFFF  }
0xcd: {  	_ =	task.clear_ibuf [dreg:s13], $0x2FFFF;
	_ =	strace $0x9FFFFFFF  }
0xce: {  	(tm) =	ssettm $0x7FFFFFFF  }
0xcf: {  	_ =	shalt  }
tec
execute0_lowered:
.L_overlay_start_1:
0x0: {  	(tag) =	ssettag $0x1  }
0x1: {  	s0 =	rddreg [dreg:$0x2]  }
0x2: {  	s1 =	rddreg [dreg:$0x3]  }
0x3: {  	s2 =	rddreg [dreg:$0x4]  }
0x4: {  	s3 =	rddreg [dreg:$0x5]  }
0x5: {  	s9 =	rddreg [dreg:$0x6]  }
0x6: {  	s5 =	rddreg [dreg:$0x7];
	s6 =	srdreg.scid  }
0x7: {  	s4 =	simm.s32 $0x0;
	s7 =	stileid.u32;
	s14 =	simm.s32 $0x280  }
0x8: {  	s15 =	simm.s32 $0x480;
	s16 =	simm.s32 $0xC80;
	s17 =	simm.s32 $0x1480  }
0x9: {  	s18 =	simm.s32 $0x1C80;
	s19 =	simm.s32 $0x2480;
	s20 =	simm.s32 $0x2C80  }
0xa: {  	s21 =	simm.s32 $0x3480;
	s22 =	simm.s32 $0x1;
	s23 =	simm.s32 $0x3C80  }
0xb: {  	s24 =	simm.s32 $0x2;
	s25 =	simm.s32 $0x0;
	s6 =	sand.u32 $0x1, s6  }
0xc: {  	s7 =	sshll.u32 s7, $0x9;
	s8 =	sshll.u32 s6, $0x8;
	s6 =	ssub.s32 $0x2, s6  }
0xd: {  	[smem:$0x7FF] =	sst s4;
	s10 =	sor.u32 s8, s7;
	s31 =	sshrl.u32 s6, $0x1  }
0xe: {  	_ =	strace $0x80000047;
	s12 =	sadd.s32 s10, s5;
	s13 =	ssub.s32 s6, s31  }
0xf: {  	s5 =	sadd.s32 s0, s10;
	s6 =	sadd.s32 s1, s10;
	s7 =	sadd.s32 s2, s10  }
0x10: {  	s8 =	sadd.s32 s3, s10;
	s9 =	sadd.s32 s9, s10;
	s10 =	sadd.s32 $0x2A00, s12  }
0x11: {  	v0 =	vimm.f32 $1.000000000e+00;
	s11 =	sadd.s32 $0xA00, s12;
	s12 =	sadd.s32 $0x4A00, s12;
	s13 =	smax.u32 s13, $0x1  }
.LBB2_1:
0x12: {  	s0 =	rddreg [dreg:$0x0]  }
0x13: {  	[tilespmem:s4], [sflag:$0x1] =	stream.linear.gather [hbm4b:s0+s4], $0x200, $0x38;
	[tilespmem:$0x4480] =	vst v63  }
0x14: {  	s2 =	rddreg [dreg:$0x1]  }
0x15: {  	[tilespmem:s14], [sflag:$0x1] =	stream.linear.gather [hbm4b:s2+s4], $0x200, $0x38;
	[tilespmem:$0x4480] =	vst v63  }
0x16: {  	_ = 	snop  }
0x17: {  	[tilespmem:s15], [sflag:$0x1] =	stream.linear.gather [hbm4b:s5+s4], $0x800, $0x38;
	[tilespmem:$0x4480] =	vst v63  }
0x18: {  	_ = 	snop  }
0x19: {  	[tilespmem:s16], [sflag:$0x1] =	stream.linear.gather [hbm4b:s6+s4], $0x800, $0x38;
	[tilespmem:$0x4480] =	vst v63  }
0x1a: {  	_ = 	snop  }
0x1b: {  	[tilespmem:s17], [sflag:$0x1] =	stream.linear.gather [hbm4b:s7+s4], $0x800, $0x38;
	[tilespmem:$0x4480] =	vst v63  }
0x1c: {  	_ = 	snop  }
0x1d: {  	[tilespmem:s18], [sflag:$0x1] =	stream.linear.gather [hbm4b:s8+s4], $0x800, $0x38;
	[tilespmem:$0x4480] =	vst v63  }
0x1e: {  	_ = 	snop  }
0x1f: {  	[tilespmem:s19], [sflag:$0x1] =	stream.linear.gather [hbm4b:s9+s4], $0x800, $0x38;
	[tilespmem:$0x4480] =	vst v63  }
0x20: {  	_ = 	snop  }
0x21: {  	[tilespmem:s20], [sflag:$0x1] =	stream.linear.gather [hbm4b:s10+s4], $0x800, $0x38;
	[tilespmem:$0x4480] =	vst v63  }
0x22: {  	_ = 	snop  }
0x23: {  	[tilespmem:s21], [sflag:$0x1] =	stream.linear.gather [hbm4b:s11+s4], $0x800, $0x38;
	[tilespmem:$0x4480] =	vst v63  }
0x24: {  	_ =	swait.ge [sflag:s22], $0x200  }
0x25: {  	[sflag:s22] =	ssyncset.done $0x0  }
0x26: {  	[sflag:s22] =	ssyncadd.s32 $0xFFFFFE00  }
0x27: {  	_ =	swait.ge [sflag:s22], $0x200  }
0x28: {  	[sflag:s22] =	ssyncset.done $0x0  }
0x29: {  	[sflag:s22] =	ssyncadd.s32 $0xFFFFFE00  }
0x2a: {  	_ =	swait.ge [sflag:s22], $0x800  }
0x2b: {  	[sflag:s22] =	ssyncset.done $0x0  }
0x2c: {  	[sflag:s22] =	ssyncadd.s32 $0xFFFFF800  }
0x2d: {  	_ =	swait.ge [sflag:s22], $0x800  }
0x2e: {  	[sflag:s22] =	ssyncset.done $0x0  }
0x2f: {  	[sflag:s22] =	ssyncadd.s32 $0xFFFFF800  }
0x30: {  	_ =	swait.ge [sflag:s22], $0x800  }
0x31: {  	[sflag:s22] =	ssyncset.done $0x0  }
0x32: {  	[sflag:s22] =	ssyncadd.s32 $0xFFFFF800  }
0x33: {  	_ =	swait.ge [sflag:s22], $0x800  }
0x34: {  	[sflag:s22] =	ssyncset.done $0x0  }
0x35: {  	[sflag:s22] =	ssyncadd.s32 $0xFFFFF800  }
0x36: {  	_ =	swait.ge [sflag:s22], $0x800  }
0x37: {  	[sflag:s22] =	ssyncset.done $0x0  }
0x38: {  	[sflag:s22] =	ssyncadd.s32 $0xFFFFF800  }
0x39: {  	_ =	swait.ge [sflag:s22], $0x800  }
0x3a: {  	[sflag:s22] =	ssyncset.done $0x0  }
0x3b: {  	[sflag:s22] =	ssyncadd.s32 $0xFFFFF800  }
0x3c: {  	_ =	swait.ge [sflag:s22], $0x800  }
0x3d: {  	[sflag:s22] =	ssyncset.done $0x0  }
0x3e: {  	[sflag:s22] =	ssyncadd.s32 $0xFFFFF800  }
0x3f: {  	v1 =	vld [tilespmem:$0x280]  }
0x40: {  	s3 =	simm.s32 $0xCA0;
	[tilespmem:$0x200] =	vst v0;
	v2 =	vld [tilespmem:$0x300]  }
0x41: {  	s26 =	simm.s32 $0x14A0;
	v3 =	vld [tilespmem:s3+$0x10]  }
0x42: {  	v4 =	vld [tilespmem:s26+$0x10]  }
0x43: {  	v5 =	vld [tilespmem:s3+$0xFFFFFFE0]  }
0x44: {  	v6 =	vld [tilespmem:s26+$0xFFFFFFE0]  }
0x45: {  	v7 =	vld [tilespmem:s3+$0xFFFFFFF0]  }
0x46: {  	v8 =	vld [tilespmem:s26+$0xFFFFFFF0]  }
0x47: {  	v9 =	vld [tilespmem:s3+$0x0]  }
0x48: {  	v10 =	vld [tilespmem:s26+$0x0];
	v3 =	vmul.f32 v3, v1;
	v4 =	vmul.f32 v4, v2;
	_ =	sdelay $0x1  }
0x49: {  	v5 =	vmul.f32 v5, v1;
	v3 =	vsub.f32 v3, v4  }
0x4a: {  	s31 =	simm.s32 $0x1CA0;
	v6 =	vmul.f32 v6, v2;
	v7 =	vmul.f32 v7, v1  }
0x4b: {  	s29 =	simm.s32 $0x4A0;
	v12 =	vld [tilespmem:s31+$0xFFFFFFE0];
	v8 =	vmul.f32 v8, v2;
	v11 =	vmul.f32 $1.442695020e+00, v3  }
0x4c: {  	v13 =	vld [tilespmem:s29+$0xFFFFFFF0];
	v5 =	vsub.f32 v5, v6;
	v6 =	vmul.f32 v9, v1;
	v9 =	vmul.f32 v10, v2  }
0x4d: {  	s30 =	simm.s32 $0x34A0;
	v4 =	vld [tilespmem:$0x380];
	v7 =	vsub.f32 v7, v8;
	(erf) = vpow2.f32 v11  }
0x4e: {  	v8 =	vld [tilespmem:s30+$0x10];
	v5 =	vmul.f32 $1.442695020e+00, v5;
	v6 =	vsub.f32 v6, v9  }
0x4f: {  	s28 =	simm.s32 $0x2CA0;
	v9 =	vld [tilespmem:s31+$0x10];
	v7 =	vmul.f32 $1.442695020e+00, v7  }
0x50: {  	v11 =	vld [tilespmem:s28+$0x10];
	(erf) = vpow2.f32 v5;
	v5 =	vmul.f32 $1.442695020e+00, v6  }
0x51: {  	v10 =	vld [tilespmem:s29+$0x10];
	(erf) = vpow2.f32 v7  }
0x52: {  	s2 =	simm.s32 $0x24A0;
	v3 =	vld [tilespmem:$0x400];
	(erf) = vpow2.f32 v5  }
0x53: {  	v6 =	vld [tilespmem:s2+$0x10]  }
0x54: {  	v7 =	vmul.f32 v9, v4;
	v9 =	vld [tilespmem:s31+$0x0]  }
0x55: {  	v15 =	vld [tilespmem:s31+$0xFFFFFFF0]  }
0x56: {  	v14 =	vld [tilespmem:s29+$0x0];
	v5 =	vpop (erf)  }
0x57: {  	v8 =	vld.idx.msk [tilespmem:v8+s4+$0x0], $0xffff;
	v5 =	vmul.f32 v5, v10  }
0x58: {  	v11 =	vld.idx.msk [tilespmem:v11+s4+$0x0], $0xffff  }
0x59: {  	v6 =	vmul.f32 v6, v3;
	v21 =	vmul.f32 v9, v4;
	v9 =	vld [tilespmem:s30+$0xFFFFFFE0];
	v16 =	vpop (erf);
	v7 =	vadd.f32 v5, v7  }
0x5a: {  	v10 =	vld [tilespmem:s29+$0xFFFFFFE0];
	v18 =	vpop (erf)  }
0x5b: {  	v5 =	vld [tilespmem:s28+$0xFFFFFFE0];
	v18 =	vmul.f32 v18, v13;
	v13 =	vpop (erf);
	v17 =	vadd.f32 v7, v6  }
0x5c: {  	v19 =	vmul.f32 v12, v4;
	v12 =	vmul.f32 v13, v14;
	v14 =	vld [tilespmem:s2+$0xFFFFFFF0]  }
0x5d: {  	v11 =	vmul.f32 v17, v11;
	v17 =	vld [tilespmem:s2+$0xFFFFFFE0]  }
0x5e: {  	v13 =	vld [tilespmem:s2+$0x0]  }
0x5f: {  	v15 =	vmul.f32 v15, v4;
	v6 =	vld [tilespmem:s28+$0xFFFFFFF0]  }
0x60: {  	v7 =	vld [tilespmem:s28+$0x0];
	v10 =	vmul.f32 v16, v10;
	v20 =	vmul.f32 v11, v8  }
0x61: {  	s3 =	simm.s32 $0x3CA0;
	v12 =	vadd.f32 v12, v21;
	v8 =	vld [tilespmem:s30+$0xFFFFFFF0]  }
0x62: {  	s1 =	simm.s32 $0xCE0;
	s0 =	simm.s32 $0x0;
	v11 =	vadd.f32 v18, v15;
	v15 =	vadd.f32 v10, v19;
	v10 =	vld [tilespmem:s30+$0x0];
	[tilespmem:s3+$0x10] =	vst v20;
	v16 =	vmul.f32 v17, v3  }
.LBB2_2:
0x63: {  	v17 =	vld [tilespmem:s1+$0x10];
	v14 =	vmul.f32 v14, v3;
	s26 =	sadd.s32 $0x40, s26  }
0x64: {  	s0 =	sadd.s32 $0x40, s0;
	v18 =	vld [tilespmem:s26+$0x10];
	v15 =	vadd.f32 v15, v16;
	v13 =	vmul.f32 v13, v3  }
0x65: {  	p0 =	slt.u32 s0, $0x7C0;
	v16 =	vld [tilespmem:s1+$0xFFFFFFE0];
	v11 =	vadd.f32 v11, v14  }
0x66: {  	v14 =	vld [tilespmem:s26+$0xFFFFFFE0];
	v12 =	vadd.f32 v12, v13  }
0x67: {  	v13 =	vld [tilespmem:s1+$0xFFFFFFF0]  }
0x68: {  	v19 =	vld [tilespmem:s26+$0xFFFFFFF0]  }
0x69: {  	v17 =	vmul.f32 v17, v1;
	v20 =	vld [tilespmem:s1+$0x0];
	v18 =	vmul.f32 v18, v2  }
0x6a: {  	v16 =	vmul.f32 v16, v1;
	v21 =	vld [tilespmem:s26+$0x0]  }
0x6b: {  	v14 =	vmul.f32 v14, v2;
	v17 =	vsub.f32 v17, v18;
	v5 =	vld.idx.msk [tilespmem:v5+s4+$0x0], $0xffff  }
0x6c: {  	v13 =	vmul.f32 v13, v1;
	v6 =	vld.idx.msk [tilespmem:v6+s4+$0x0], $0xffff  }
0x6d: {  	v14 =	vsub.f32 v16, v14;
	v16 =	vmul.f32 v19, v2;
	v17 =	vmul.f32 $1.442695020e+00, v17;
	v7 =	vld.idx.msk [tilespmem:v7+s4+$0x0], $0xffff  }
0x6e: {  	v18 =	vmul.f32 v20, v1;
	v9 =	vld.idx.msk [tilespmem:v9+s4+$0x0], $0xffff  }
0x6f: {  	v13 =	vsub.f32 v13, v16;
	v16 =	vmul.f32 v21, v2;
	(erf) = vpow2.f32 v17;
	v8 =	vld.idx.msk [tilespmem:v8+s4+$0x0], $0xffff  }
0x70: {  	s28 =	sadd.s32 $0x40, s28;
	v14 =	vmul.f32 $1.442695020e+00, v14;
	v10 =	vld.idx.msk [tilespmem:v10+s4+$0x0], $0xffff  }
0x71: {  	s29 =	sadd.s32 $0x40, s29;
	v5 =	vmul.f32 v15, v5;
	v13 =	vmul.f32 $1.442695020e+00, v13;
	v16 =	vsub.f32 v18, v16;
	v17 =	vld [tilespmem:s28+$0x10]  }
0x72: {  	s30 =	sadd.s32 $0x40, s30;
	v6 =	vmul.f32 v11, v6;
	v15 =	vld [tilespmem:s29+$0x10];
	(erf) = vpow2.f32 v14  }
0x73: {  	s31 =	sadd.s32 $0x40, s31;
	v11 =	vmul.f32 $1.442695020e+00, v16;
	v14 =	vld [tilespmem:s30+$0x10];
	(erf) = vpow2.f32 v13  }
0x74: {  	v7 =	vmul.f32 v12, v7;
	v5 =	vmul.f32 v5, v9;
	v13 =	vld [tilespmem:s31+$0x10]  }
0x75: {  	s2 =	sadd.s32 $0x40, s2;
	v6 =	vmul.f32 v6, v8;
	v9 =	vld [tilespmem:s31+$0xFFFFFFE0];
	(erf) = vpow2.f32 v11  }
0x76: {  	v8 =	vld [tilespmem:s2+$0x10];
	[tilespmem:s3+$0xFFFFFFE0] =	vst v5;
	v5 =	vmul.f32 v7, v10  }
0x77: {  	v7 =	vld [tilespmem:s29+$0xFFFFFFF0];
	[tilespmem:s3+$0xFFFFFFF0] =	vst v6  }
0x78: {  	v6 =	vld [tilespmem:s31+$0xFFFFFFF0];
	v10 =	vpop (erf);
	[tilespmem:s3+$0x0] =	vst v5  }
0x79: {  	v5 =	vmul.f32 v10, v15;
	v10 =	vmul.f32 v13, v4;
	v12 =	vld.idx.msk [tilespmem:v17+s4+$0x0], $0xffff  }
0x7a: {  	v9 =	vmul.f32 v9, v4;
	v13 =	vld [tilespmem:s29+$0x0]  }
0x7b: {  	v5 =	vadd.f32 v5, v10;
	v8 =	vmul.f32 v8, v3;
	v10 =	vld.idx.msk [tilespmem:v14+s4+$0x0], $0xffff;
	v14 =	vpop (erf)  }
0x7c: {  	v15 =	vld [tilespmem:s31+$0x0];
	v11 =	vpop (erf)  }
0x7d: {  	v16 =	vld [tilespmem:s29+$0xFFFFFFE0];
	v7 =	vmul.f32 v11, v7;
	v6 =	vmul.f32 v6, v4;
	v8 =	vadd.f32 v5, v8  }
0x7e: {  	v5 =	vld [tilespmem:s28+$0xFFFFFFE0];
	v17 =	vpop (erf)  }
0x7f: {  	v11 =	vadd.f32 v7, v6;
	v6 =	vld [tilespmem:s28+$0xFFFFFFF0];
	v13 =	vmul.f32 v17, v13;
	v8 =	vmul.f32 v8, v12  }
0x80: {  	v7 =	vld [tilespmem:s28+$0x0]  }
0x81: {  	v17 =	vld [tilespmem:s2+$0xFFFFFFE0];
	v12 =	vmul.f32 v15, v4;
	v8 =	vmul.f32 v8, v10  }
.Ltmp0:
0x82: {  	s3 =	sadd.s32 $0x40, s3;
	v10 =	vmul.f32 v14, v16;
	v14 =	vld [tilespmem:s2+$0xFFFFFFF0];
	(pc) =	sbr.rel @p0 .LBB2_2-.Ltmp0, $4  }
0x83: {  	v12 =	vadd.f32 v13, v12;
	v13 =	vld [tilespmem:s2+$0x0];
	[tilespmem:s3+$0x10] =	vst v8  }
0x84: {  	v15 =	vadd.f32 v10, v9;
	v9 =	vld [tilespmem:s30+$0xFFFFFFE0]  }
0x85: {  	v8 =	vld [tilespmem:s30+$0xFFFFFFF0]  }
0x86: {  	s1 =	sadd.s32 $0x40, s1;
	v16 =	vmul.f32 v17, v3;
	v10 =	vld [tilespmem:s30+$0x0]  }
0x87: {  	_ =	sdelay $0x3  }
0x88: {  	v1 =	vld.idx.msk [tilespmem:v5+s4+$0x0], $0xffff  }
0x89: {  	v2 =	vld.idx.msk [tilespmem:v6+s4+$0x0], $0xffff  }
0x8a: {  	v4 =	vld.idx.msk [tilespmem:v7+s4+$0x0], $0xffff  }
0x8b: {  	v60 =	vmul.f32 v14, v3;
	v61 =	vld.idx.msk [tilespmem:v9+s4+$0x0], $0xffff  }
0x8c: {  	v62 =	vadd.f32 v15, v16;
	v3 =	vmul.f32 v13, v3;
	v8 =	vld.idx.msk [tilespmem:v8+s4+$0x0], $0xffff  }
0x8d: {  	v5 =	vadd.f32 v11, v60;
	v63 =	vld.idx.msk [tilespmem:v10+s4+$0x0], $0xffff  }
0x8e: {  	v3 =	vadd.f32 v12, v3;
	v1 =	vmul.f32 v62, v1  }
0x8f: {  	v2 =	vmul.f32 v5, v2  }
0x90: {  	v3 =	vmul.f32 v3, v4;
	v1 =	vmul.f32 v1, v61  }
0x91: {  	v2 =	vmul.f32 v2, v8  }
0x92: {  	s25 =	sadd.s32 $0x1, s25;
	[tilespmem:s3+$0xFFFFFFE0] =	vst v1;
	v1 =	vmul.f32 v3, v63  }
0x93: {  	p0 =	sne.s32 s25, s13;
	[tilespmem:s3+$0xFFFFFFF0] =	vst v2  }
.Ltmp1:
0x94: {  	[tilespmem:s3+$0x0] =	vst v1;
	(pc) =	sbr.rel @p0 .LBB2_1-.Ltmp1, $4  }
0x95: {  	[hbm4b:s12+s4] =	stream.linear.scatter [tilespmem:s23], [sflag:$0x2], $0x800, $0x38;
	[tilespmem:$0x4480] =	vst v63  }
0x96: {  	_ =	swait.ge [sflag:s24], $0x800  }
0x97: {  	[sflag:s24] =	ssyncset.done $0x0  }
0x98: {  	[sflag:s24] =	ssyncadd.s32 $0xFFFFF800  }
0x99: {  	_ =	sfence.sel $0x180000  }
0x9a: {  	[bflag:$0x0] =	sbarrier.arrive $0xFFFF  }
0x9b: {  	_ =	strace $0x90000047  }
0x9c: {  	s0 =	stileid.u32;
	[bflag:$0x2] =	sbarrier.arrive $0xFFFF  }
0x9d: {  	p0 =	sne.s32 s0, $0x0;
	s0 =	rddreg [dreg:$0x8]  }
0x9e: {  	s0 =	sadd.s32 @!p0 $0x100000, s0  }
0x9f: {  	[sflag:s0] =	ssyncadd.tile.s32 @!p0 $0x1;
	_ =	shalt  }
.Lfunc_end2:
_tile_overlayer_lowered:
.L_overlay_start_2:
0xa0: {  	(tag) =	ssettag $0x2  }
0xa1: {  	s0 =	rddreg [dreg:$0x0];
	s2 =	stileid.u32  }
0xa2: {  	s1 =	rddreg [dreg:$0x1];
	p0 =	sne.s32 s2, $0x0  }
0xa3: {  	s3 =	rddreg [dreg:$0x2];
	[bflag:$0x3] =	sbarrier.arrive $0xFFFF;
	s2 =	simm.s32 @!p0 $0x1C02  }
0xa4: {  	[timem:s3], [sflag:s2] =	dma.local @!p0 [hbm:s0], s1  }
0xa5: {  	s0 =	simm.s32 @!p0 $0x2  }
0xa6: {  	_ =	swait.ge @!p0 [sflag:s0], s1  }
0xa7: {  	s1 =	ssub.s32 @!p0 $0x0, s1;
	[sflag:s0] =	ssyncset.done @!p0 $0x0  }
0xa8: {  	[sflag:s0] =	ssyncadd.s32 @!p0 s1  }
0xa9: {  	[bflag:$0x3] =	sbarrier.arrive $0xFFFF  }
0xaa: {  	_ =	shalt  }

</sc_bundles>
